<compile_context>
chip_gen: v7x
topology: tpu7x:2x2x1
jax: 0.10.2.dev20260603
libtpu: 0.0.44.dev20260713+nightly
codegen_flags: <defaults>
</compile_context>

<pallas_src>
import functools

import jax
import jax.numpy as jnp
from jax import lax
from jax.experimental import pallas as pl
from jax.experimental.pallas import tpu as pltpu
from jax.experimental.pallas import tpu_sc as plsc

N_TOK = 1024
N_CB = 1024
DIM = 64
TOK_BLK = 1024
CB_BLK = 128


def _argmin_body(x_ref, w_ref, idx_ref):
    xb = x_ref[...]
    run_min = jnp.full((1, TOK_BLK), jnp.inf, dtype=jnp.float32)
    run_idx = jnp.zeros((1, TOK_BLK), dtype=jnp.float32)
    base_iota = lax.broadcasted_iota(
        jnp.int32, (CB_BLK, TOK_BLK), 0).astype(jnp.float32)
    for j in range(N_CB // CB_BLK):
        wc = w_ref[j * CB_BLK:(j + 1) * CB_BLK, :]
        wsq = jnp.sum(wc * wc, axis=1, keepdims=True)
        dots = lax.dot_general(
            wc, xb, (((1,), (1,)), ((), ())),
            preferred_element_type=jnp.float32,
            precision=lax.Precision.HIGHEST,
        )
        scores = wsq - 2.0 * dots
        cmin = jnp.min(scores, axis=0, keepdims=True)
        iota = base_iota + jnp.float32(j * CB_BLK)
        cidx = jnp.min(
            jnp.where(scores == cmin, iota, jnp.float32(2**30)),
            axis=0, keepdims=True)
        upd = cmin < run_min
        run_idx = jnp.where(upd, cidx, run_idx)
        run_min = jnp.where(upd, cmin, run_min)
    idx_ref[...] = run_idx.reshape(TOK_BLK).astype(jnp.int32)


def _tc_argmin(x, weight):
    return pl.pallas_call(
        _argmin_body,
        grid=(N_TOK // TOK_BLK,),
        in_specs=[
            pl.BlockSpec((TOK_BLK, DIM), lambda i: (i, 0)),
            pl.BlockSpec((N_CB, DIM), lambda i: (0, 0)),
        ],
        out_specs=pl.BlockSpec((TOK_BLK,), lambda i: (i,)),
        out_shape=jax.ShapeDtypeStruct((N_TOK,), jnp.int32),
    )(x, weight)


def _sc_gather(table, idx):
    nc = 1
    ns = 16
    nw = ns * nc
    b_per_w = N_TOK // nw
    mesh = plsc.VectorSubcoreMesh(
        core_axis_name="c", subcore_axis_name="s", num_cores=nc, num_subcores=ns)

    @functools.partial(
        pl.kernel,
        mesh=mesh,
        out_type=jax.ShapeDtypeStruct((N_TOK, DIM), jnp.float32),
        scratch_types=[
            pltpu.VMEM((b_per_w,), jnp.int32),
            pltpu.VMEM((b_per_w, DIM), jnp.float32),
            pltpu.SemaphoreType.DMA,
        ],
        compiler_params=pltpu.CompilerParams(use_tc_tiling_on_sc=False),
    )
    def k(table_hbm, idx_hbm, out_hbm, idx_v, rows_v, sem):
        wid = lax.axis_index("s") * nc + lax.axis_index("c")
        base = wid * b_per_w
        pltpu.sync_copy(idx_hbm.at[pl.ds(base, b_per_w)], idx_v)
        pltpu.async_copy(table_hbm.at[idx_v], rows_v, sem).wait()
        pltpu.sync_copy(rows_v, out_hbm.at[pl.ds(base, b_per_w)])

    return k(table, idx)


def kernel(x, weight):
    q_idx = _tc_argmin(x, weight)
    q_data = _sc_gather(weight, q_idx)
    return (q_data, q_idx)

# --- scband reference (transcript-rebuilt; emitter-appended) ---
"""Pipeline reference for scband-quantizing-1580547970990 (READ-ONLY COPY).

The authoritative reference and input builder live on the scoring server;
editing this copy changes nothing except your own understanding.
"""

import jax, jax.numpy as jnp
import numpy as np

NUM_Q = 1024
Q_DIM = 64


def setup_inputs(seed: int = 0) -> dict:
    key = jax.random.key(seed)
    kx, kw = jax.random.split(key)
    x = jax.random.normal(kx, (1024, Q_DIM), dtype=jnp.float32)
    # nn.init.normal_(weight, mean=0.0, std=1.0)
    weight = jax.random.normal(kw, (NUM_Q, Q_DIM), dtype=jnp.float32)
    return {"x": x, "weight": weight}


def reference(x, weight):
    input_size = x.shape
    h = x.reshape(-1, Q_DIM)
    # delta: (N, Q, E) broadcasted difference, faithful to torch version
    delta = weight[None, :, :] - h[:, None, :]
    dist = jnp.sum(delta * delta, axis=-1)
    q_idx = jnp.argmin(dist, axis=-1)
    q_data = weight[q_idx]
    return (q_data.reshape(input_size), q_idx.reshape(input_size[:1]))

if __name__ == "__main__":
    import jax
    _d = setup_inputs()
    print(jax.jit(kernel)(*tuple(_d.values())))

</pallas_src>

<mosaic_0001>
#map = affine_map<(d0, d1) -> (0, 0)>
#map1 = affine_map<(d0, d1) -> (0)>
module attributes {stable_mosaic.version = 14 : i64} {
  func.func @k(%arg0: i32, %arg1: i32, %arg2: memref<1024x64xf32, #tpu.memory_space<hbm>>, %arg3: memref<1024xi32, #tpu.memory_space<hbm>>, %arg4: memref<1024x64xf32, #tpu.memory_space<hbm>>, %arg5: memref<64xi32, #tpu.memory_space<vmem>>, %arg6: memref<64x64xf32, #tpu.memory_space<vmem>>, %arg7: memref<!tpu.dma_semaphore, #tpu.memory_space<semaphore_mem>>) attributes {dimension_semantics = [#tpu.dimension_semantics<core_parallel>, #tpu.dimension_semantics<subcore_parallel>], iteration_bounds = array<i64: 1, 16>, scalar_prefetch = 0 : i64, scratch_operands = 3 : i64, tpu.core_type = #tpu.core_type<sc_vector_subcore>, window_params = [{transform_indices = #map}, {transform_indices = #map1}, {transform_indices = #map}]} {
    %mul3A = arith.constant 1 : i32
    %mul3A_0 = arith.muli %arg1, %mul3A : i32
    %add3A = arith.addi %mul3A_0, %arg0 : i32
    %mul3A_1 = arith.constant 64 : i32
    %mul3A_2 = arith.muli %add3A, %mul3A_1 : i32
    "tpu.region"() ({
      %run_scoped3A = tpu.sem_alloc : memref<!tpu.dma_semaphore, #tpu.memory_space<semaphore_mem>>
      %dma_start3A_7 = tpu.memref_slice %arg3[%mul3A_2] : memref<1024xi32, #tpu.memory_space<hbm>> -> memref<64xi32, #tpu.memory_space<hbm>>
      %dma_start3A_8 = tpu.memref_slice %arg3[%mul3A_2] : memref<1024xi32, #tpu.memory_space<hbm>> -> memref<64xi32, #tpu.memory_space<hbm>>
      tpu.enqueue_dma source(%dma_start3A_8 : memref<64xi32, #tpu.memory_space<hbm>>) target(%arg5 : memref<64xi32, #tpu.memory_space<vmem>>) target_semaphore(%run_scoped3A : memref<!tpu.dma_semaphore, #tpu.memory_space<semaphore_mem>>)
      %dma_wait3A_9 = tpu.memref_slice %arg3[%mul3A_2] : memref<1024xi32, #tpu.memory_space<hbm>> -> memref<64xi32, #tpu.memory_space<hbm>>
      %dma_wait3A_10 = tpu.memref_slice %arg3[%mul3A_2] : memref<1024xi32, #tpu.memory_space<hbm>> -> memref<64xi32, #tpu.memory_space<hbm>>
      tpu.wait_dma2 semaphore(%run_scoped3A : memref<!tpu.dma_semaphore, #tpu.memory_space<semaphore_mem>>) src(%dma_wait3A_10 : memref<64xi32, #tpu.memory_space<hbm>>) dst(%arg5 : memref<64xi32, #tpu.memory_space<vmem>>)
      tpu.yield
    }) : () -> ()
    %dma_start3A = arith.constant 0 : i32
    %dma_start3A_3 = arith.constant 0 : i32
    %dma_start3A_4 = tpu.memref_slice %arg2[%dma_start3A, %dma_start3A_3] : memref<1024x64xf32, #tpu.memory_space<hbm>> -> memref<1024x64xf32, #tpu.memory_space<hbm>>
    tpu.enqueue_indirect_dma source(%dma_start3A_4 : memref<1024x64xf32, #tpu.memory_space<hbm>>) target(%arg6 : memref<64x64xf32, #tpu.memory_space<vmem>>) offsets(%arg5 : memref<64xi32, #tpu.memory_space<vmem>>) semaphore(%arg7 : memref<!tpu.dma_semaphore, #tpu.memory_space<semaphore_mem>>)
    %dma_wait3A = arith.constant 0 : i32
    %dma_wait3A_5 = arith.constant 0 : i32
    %dma_wait3A_6 = tpu.memref_slice %arg2[%dma_wait3A, %dma_wait3A_5] : memref<1024x64xf32, #tpu.memory_space<hbm>> -> memref<1024x64xf32, #tpu.memory_space<hbm>>
    tpu.wait_indirect_dma semaphore(%arg7 : memref<!tpu.dma_semaphore, #tpu.memory_space<semaphore_mem>>) src(%dma_wait3A_6 : memref<1024x64xf32, #tpu.memory_space<hbm>>) dst(%arg6 : memref<64x64xf32, #tpu.memory_space<vmem>>)
    "tpu.region"() ({
      %run_scoped3A = tpu.sem_alloc : memref<!tpu.dma_semaphore, #tpu.memory_space<semaphore_mem>>
      %dma_start3A_7 = arith.constant 0 : i32
      %dma_start3A_8 = tpu.memref_slice %arg4[%mul3A_2, %dma_start3A_7] : memref<1024x64xf32, #tpu.memory_space<hbm>> -> memref<64x64xf32, #tpu.memory_space<hbm>>
      %dma_start3A_9 = arith.constant 0 : i32
      %dma_start3A_10 = tpu.memref_slice %arg4[%mul3A_2, %dma_start3A_9] : memref<1024x64xf32, #tpu.memory_space<hbm>> -> memref<64x64xf32, #tpu.memory_space<hbm>>
      tpu.enqueue_dma source(%arg6 : memref<64x64xf32, #tpu.memory_space<vmem>>) target(%dma_start3A_10 : memref<64x64xf32, #tpu.memory_space<hbm>>) target_semaphore(%run_scoped3A : memref<!tpu.dma_semaphore, #tpu.memory_space<semaphore_mem>>)
      %dma_wait3A_11 = arith.constant 0 : i32
      %dma_wait3A_12 = tpu.memref_slice %arg4[%mul3A_2, %dma_wait3A_11] : memref<1024x64xf32, #tpu.memory_space<hbm>> -> memref<64x64xf32, #tpu.memory_space<hbm>>
      %dma_wait3A_13 = arith.constant 0 : i32
      %dma_wait3A_14 = tpu.memref_slice %arg4[%mul3A_2, %dma_wait3A_13] : memref<1024x64xf32, #tpu.memory_space<hbm>> -> memref<64x64xf32, #tpu.memory_space<hbm>>
      tpu.wait_dma2 semaphore(%run_scoped3A : memref<!tpu.dma_semaphore, #tpu.memory_space<semaphore_mem>>) src(%arg6 : memref<64x64xf32, #tpu.memory_space<vmem>>) dst(%dma_wait3A_14 : memref<64x64xf32, #tpu.memory_space<hbm>>)
      tpu.yield
    }) : () -> ()
    return
  }
}

module attributes {stable_mosaic.version = 14 : i64} {
  func.func @_argmin_body(%arg0: i32, %arg1: memref<1024x64xf32, #tpu.memory_space<vmem>>, %arg2: memref<1024x64xf32, #tpu.memory_space<vmem>>, %arg3: memref<1024xi32, #tpu.memory_space<vmem>>) attributes {dimension_semantics = [#tpu.dimension_semantics<arbitrary>], iteration_bounds = array<i64: 1>, scalar_prefetch = 0 : i64, scratch_operands = 0 : i64, tpu.core_type = #tpu.core_type<tc>, window_params = [{transform_indices = @transform_0, window_bounds = array<i64: 1024, 64>}, {pipeline_mode = #tpu.pipeline_mode<synchronous>, transform_indices = @transform_1, window_bounds = array<i64: 1024, 64>}, {transform_indices = @transform_2, window_bounds = array<i64: 1024>}]} {
    %get3A = arith.constant 0 : index
    %get3A_0 = arith.constant 0 : index
    %get3A_1 = vector.load %arg1[%get3A, %get3A_0] : memref<1024x64xf32, #tpu.memory_space<vmem>>, vector<1024x64xf32>
    %broadcast_in_dim3A = arith.constant 0x7F800000 : f32
    %broadcast_in_dim3A_2 = vector.broadcast %broadcast_in_dim3A : f32 to vector<1x1024xf32>
    %broadcast_in_dim3A_3 = arith.constant 0.000000e+00 : f32
    %broadcast_in_dim3A_4 = vector.broadcast %broadcast_in_dim3A_3 : f32 to vector<1x1024xf32>
    %iota3A = tpu.iota {dimensions = array<i32: 0>} : vector<128x1024xi32>
    %convert_element_type3A = arith.sitofp %iota3A : vector<128x1024xi32> to vector<128x1024xf32>
    %get3A_5 = arith.constant 0 : index
    %get3A_6 = arith.constant 0 : index
    %get3A_7 = vector.load %arg2[%get3A_5, %get3A_6] : memref<1024x64xf32, #tpu.memory_space<vmem>>, vector<128x64xf32>
    %mul3A = arith.mulf %get3A_7, %get3A_7 : vector<128x64xf32>
    %reduce_sum3A = arith.constant dense<0.000000e+00> : vector<128xf32>
    %reduce_sum3A_8 = vector.multi_reduction <add>, %mul3A, %reduce_sum3A [1] : vector<128x64xf32> to vector<128xf32>
    %broadcast_in_dim3A_9 = vector.shape_cast %reduce_sum3A_8 : vector<128xf32> to vector<128x1xf32>
    %dot_general3A = arith.constant dense<0.000000e+00> : vector<128x1024xf32>
    %dot_general3A_10 = tpu.matmul %get3A_7, %get3A_1, %dot_general3A {dimension_numbers = #tpu.dot_dimension_numbers<[1], [1], [0], [0], [0, 0, 1, 0], [], []>, precision = #tpu.contract_precision<fp32>, transpose_lhs_hint = false} : vector<128x64xf32>, vector<1024x64xf32>, vector<128x1024xf32> -> vector<128x1024xf32>
    %mul3A_11 = arith.constant 2.000000e+00 : f32
    %mul3A_12 = vector.broadcast %mul3A_11 : f32 to vector<128x1024xf32>
    %mul3A_13 = arith.mulf %mul3A_12, %dot_general3A_10 : vector<128x1024xf32>
    %sub3A = vector.broadcast %broadcast_in_dim3A_9 : vector<128x1xf32> to vector<128x1024xf32>
    %sub3A_14 = arith.subf %sub3A, %mul3A_13 : vector<128x1024xf32>
    %reduce_min3A = arith.constant dense<0x7F800000> : vector<1024xf32>
    %reduce_min3A_15 = vector.multi_reduction <minimumf>, %sub3A_14, %reduce_min3A [0] : vector<128x1024xf32> to vector<1024xf32>
    %broadcast_in_dim3A_16 = vector.shape_cast %reduce_min3A_15 : vector<1024xf32> to vector<1x1024xf32>
    %add3A = arith.constant 0.000000e+00 : f32
    %add3A_17 = vector.broadcast %add3A : f32 to vector<128x1024xf32>
    %add3A_18 = arith.addf %convert_element_type3A, %add3A_17 : vector<128x1024xf32>
    %eq3A = vector.broadcast %broadcast_in_dim3A_16 : vector<1x1024xf32> to vector<128x1024xf32>
    %eq3A_19 = arith.cmpf oeq, %sub3A_14, %eq3A : vector<128x1024xf32>
    %jit3A = arith.constant 1.07374182E+9 : f32
    %broadcast_in_dim3A_20 = vector.broadcast %jit3A : f32 to vector<128x1024xf32>
    %select_n3A = arith.select %eq3A_19, %add3A_18, %broadcast_in_dim3A_20 : vector<128x1024xi1>, vector<128x1024xf32>
    %reduce_min3A_21 = arith.constant dense<0x7F800000> : vector<1024xf32>
    %reduce_min3A_22 = vector.multi_reduction <minimumf>, %select_n3A, %reduce_min3A_21 [0] : vector<128x1024xf32> to vector<1024xf32>
    %broadcast_in_dim3A_23 = vector.shape_cast %reduce_min3A_22 : vector<1024xf32> to vector<1x1024xf32>
    %lt3A = arith.cmpf olt, %broadcast_in_dim3A_16, %broadcast_in_dim3A_2 : vector<1x1024xf32>
    %select_n3A_24 = arith.select %lt3A, %broadcast_in_dim3A_23, %broadcast_in_dim3A_4 : vector<1x1024xi1>, vector<1x1024xf32>
    %select_n3A_25 = arith.select %lt3A, %broadcast_in_dim3A_16, %broadcast_in_dim3A_2 : vector<1x1024xi1>, vector<1x1024xf32>
    %get3A_26 = arith.constant 128 : index
    %get3A_27 = arith.constant 0 : index
    %get3A_28 = vector.load %arg2[%get3A_26, %get3A_27] : memref<1024x64xf32, #tpu.memory_space<vmem>>, vector<128x64xf32>
    %mul3A_29 = arith.mulf %get3A_28, %get3A_28 : vector<128x64xf32>
    %reduce_sum3A_30 = arith.constant dense<0.000000e+00> : vector<128xf32>
    %reduce_sum3A_31 = vector.multi_reduction <add>, %mul3A_29, %reduce_sum3A_30 [1] : vector<128x64xf32> to vector<128xf32>
    %broadcast_in_dim3A_32 = vector.shape_cast %reduce_sum3A_31 : vector<128xf32> to vector<128x1xf32>
    %dot_general3A_33 = arith.constant dense<0.000000e+00> : vector<128x1024xf32>
    %dot_general3A_34 = tpu.matmul %get3A_28, %get3A_1, %dot_general3A_33 {dimension_numbers = #tpu.dot_dimension_numbers<[1], [1], [0], [0], [0, 0, 1, 0], [], []>, precision = #tpu.contract_precision<fp32>, transpose_lhs_hint = false} : vector<128x64xf32>, vector<1024x64xf32>, vector<128x1024xf32> -> vector<128x1024xf32>
    %mul3A_35 = arith.constant 2.000000e+00 : f32
    %mul3A_36 = vector.broadcast %mul3A_35 : f32 to vector<128x1024xf32>
    %mul3A_37 = arith.mulf %mul3A_36, %dot_general3A_34 : vector<128x1024xf32>
    %sub3A_38 = vector.broadcast %broadcast_in_dim3A_32 : vector<128x1xf32> to vector<128x1024xf32>
    %sub3A_39 = arith.subf %sub3A_38, %mul3A_37 : vector<128x1024xf32>
    %reduce_min3A_40 = arith.constant dense<0x7F800000> : vector<1024xf32>
    %reduce_min3A_41 = vector.multi_reduction <minimumf>, %sub3A_39, %reduce_min3A_40 [0] : vector<128x1024xf32> to vector<1024xf32>
    %broadcast_in_dim3A_42 = vector.shape_cast %reduce_min3A_41 : vector<1024xf32> to vector<1x1024xf32>
    %add3A_43 = arith.constant 1.280000e+02 : f32
    %add3A_44 = vector.broadcast %add3A_43 : f32 to vector<128x1024xf32>
    %add3A_45 = arith.addf %convert_element_type3A, %add3A_44 : vector<128x1024xf32>
    %eq3A_46 = vector.broadcast %broadcast_in_dim3A_42 : vector<1x1024xf32> to vector<128x1024xf32>
    %eq3A_47 = arith.cmpf oeq, %sub3A_39, %eq3A_46 : vector<128x1024xf32>
    %jit3A_48 = arith.constant 1.07374182E+9 : f32
    %broadcast_in_dim3A_49 = vector.broadcast %jit3A_48 : f32 to vector<128x1024xf32>
    %select_n3A_50 = arith.select %eq3A_47, %add3A_45, %broadcast_in_dim3A_49 : vector<128x1024xi1>, vector<128x1024xf32>
    %reduce_min3A_51 = arith.constant dense<0x7F800000> : vector<1024xf32>
    %reduce_min3A_52 = vector.multi_reduction <minimumf>, %select_n3A_50, %reduce_min3A_51 [0] : vector<128x1024xf32> to vector<1024xf32>
    %broadcast_in_dim3A_53 = vector.shape_cast %reduce_min3A_52 : vector<1024xf32> to vector<1x1024xf32>
    %lt3A_54 = arith.cmpf olt, %broadcast_in_dim3A_42, %select_n3A_25 : vector<1x1024xf32>
    %select_n3A_55 = arith.select %lt3A_54, %broadcast_in_dim3A_53, %select_n3A_24 : vector<1x1024xi1>, vector<1x1024xf32>
    %select_n3A_56 = arith.select %lt3A_54, %broadcast_in_dim3A_42, %select_n3A_25 : vector<1x1024xi1>, vector<1x1024xf32>
    %get3A_57 = arith.constant 256 : index
    %get3A_58 = arith.constant 0 : index
    %get3A_59 = vector.load %arg2[%get3A_57, %get3A_58] : memref<1024x64xf32, #tpu.memory_space<vmem>>, vector<128x64xf32>
    %mul3A_60 = arith.mulf %get3A_59, %get3A_59 : vector<128x64xf32>
    %reduce_sum3A_61 = arith.constant dense<0.000000e+00> : vector<128xf32>
    %reduce_sum3A_62 = vector.multi_reduction <add>, %mul3A_60, %reduce_sum3A_61 [1] : vector<128x64xf32> to vector<128xf32>
    %broadcast_in_dim3A_63 = vector.shape_cast %reduce_sum3A_62 : vector<128xf32> to vector<128x1xf32>
    %dot_general3A_64 = arith.constant dense<0.000000e+00> : vector<128x1024xf32>
    %dot_general3A_65 = tpu.matmul %get3A_59, %get3A_1, %dot_general3A_64 {dimension_numbers = #tpu.dot_dimension_numbers<[1], [1], [0], [0], [0, 0, 1, 0], [], []>, precision = #tpu.contract_precision<fp32>, transpose_lhs_hint = false} : vector<128x64xf32>, vector<1024x64xf32>, vector<128x1024xf32> -> vector<128x1024xf32>
    %mul3A_66 = arith.constant 2.000000e+00 : f32
    %mul3A_67 = vector.broadcast %mul3A_66 : f32 to vector<128x1024xf32>
    %mul3A_68 = arith.mulf %mul3A_67, %dot_general3A_65 : vector<128x1024xf32>
    %sub3A_69 = vector.broadcast %broadcast_in_dim3A_63 : vector<128x1xf32> to vector<128x1024xf32>
    %sub3A_70 = arith.subf %sub3A_69, %mul3A_68 : vector<128x1024xf32>
    %reduce_min3A_71 = arith.constant dense<0x7F800000> : vector<1024xf32>
    %reduce_min3A_72 = vector.multi_reduction <minimumf>, %sub3A_70, %reduce_min3A_71 [0] : vector<128x1024xf32> to vector<1024xf32>
    %broadcast_in_dim3A_73 = vector.shape_cast %reduce_min3A_72 : vector<1024xf32> to vector<1x1024xf32>
    %add3A_74 = arith.constant 2.560000e+02 : f32
    %add3A_75 = vector.broadcast %add3A_74 : f32 to vector<128x1024xf32>
    %add3A_76 = arith.addf %convert_element_type3A, %add3A_75 : vector<128x1024xf32>
    %eq3A_77 = vector.broadcast %broadcast_in_dim3A_73 : vector<1x1024xf32> to vector<128x1024xf32>
    %eq3A_78 = arith.cmpf oeq, %sub3A_70, %eq3A_77 : vector<128x1024xf32>
    %jit3A_79 = arith.constant 1.07374182E+9 : f32
    %broadcast_in_dim3A_80 = vector.broadcast %jit3A_79 : f32 to vector<128x1024xf32>
    %select_n3A_81 = arith.select %eq3A_78, %add3A_76, %broadcast_in_dim3A_80 : vector<128x1024xi1>, vector<128x1024xf32>
    %reduce_min3A_82 = arith.constant dense<0x7F800000> : vector<1024xf32>
    %reduce_min3A_83 = vector.multi_reduction <minimumf>, %select_n3A_81, %reduce_min3A_82 [0] : vector<128x1024xf32> to vector<1024xf32>
    %broadcast_in_dim3A_84 = vector.shape_cast %reduce_min3A_83 : vector<1024xf32> to vector<1x1024xf32>
    %lt3A_85 = arith.cmpf olt, %broadcast_in_dim3A_73, %select_n3A_56 : vector<1x1024xf32>
    %select_n3A_86 = arith.select %lt3A_85, %broadcast_in_dim3A_84, %select_n3A_55 : vector<1x1024xi1>, vector<1x1024xf32>
    %select_n3A_87 = arith.select %lt3A_85, %broadcast_in_dim3A_73, %select_n3A_56 : vector<1x1024xi1>, vector<1x1024xf32>
    %get3A_88 = arith.constant 384 : index
    %get3A_89 = arith.constant 0 : index
    %get3A_90 = vector.load %arg2[%get3A_88, %get3A_89] : memref<1024x64xf32, #tpu.memory_space<vmem>>, vector<128x64xf32>
    %mul3A_91 = arith.mulf %get3A_90, %get3A_90 : vector<128x64xf32>
    %reduce_sum3A_92 = arith.constant dense<0.000000e+00> : vector<128xf32>
    %reduce_sum3A_93 = vector.multi_reduction <add>, %mul3A_91, %reduce_sum3A_92 [1] : vector<128x64xf32> to vector<128xf32>
    %broadcast_in_dim3A_94 = vector.shape_cast %reduce_sum3A_93 : vector<128xf32> to vector<128x1xf32>
    %dot_general3A_95 = arith.constant dense<0.000000e+00> : vector<128x1024xf32>
    %dot_general3A_96 = tpu.matmul %get3A_90, %get3A_1, %dot_general3A_95 {dimension_numbers = #tpu.dot_dimension_numbers<[1], [1], [0], [0], [0, 0, 1, 0], [], []>, precision = #tpu.contract_precision<fp32>, transpose_lhs_hint = false} : vector<128x64xf32>, vector<1024x64xf32>, vector<128x1024xf32> -> vector<128x1024xf32>
    %mul3A_97 = arith.constant 2.000000e+00 : f32
    %mul3A_98 = vector.broadcast %mul3A_97 : f32 to vector<128x1024xf32>
    %mul3A_99 = arith.mulf %mul3A_98, %dot_general3A_96 : vector<128x1024xf32>
    %sub3A_100 = vector.broadcast %broadcast_in_dim3A_94 : vector<128x1xf32> to vector<128x1024xf32>
    %sub3A_101 = arith.subf %sub3A_100, %mul3A_99 : vector<128x1024xf32>
    %reduce_min3A_102 = arith.constant dense<0x7F800000> : vector<1024xf32>
    %reduce_min3A_103 = vector.multi_reduction <minimumf>, %sub3A_101, %reduce_min3A_102 [0] : vector<128x1024xf32> to vector<1024xf32>
    %broadcast_in_dim3A_104 = vector.shape_cast %reduce_min3A_103 : vector<1024xf32> to vector<1x1024xf32>
    %add3A_105 = arith.constant 3.840000e+02 : f32
    %add3A_106 = vector.broadcast %add3A_105 : f32 to vector<128x1024xf32>
    %add3A_107 = arith.addf %convert_element_type3A, %add3A_106 : vector<128x1024xf32>
    %eq3A_108 = vector.broadcast %broadcast_in_dim3A_104 : vector<1x1024xf32> to vector<128x1024xf32>
    %eq3A_109 = arith.cmpf oeq, %sub3A_101, %eq3A_108 : vector<128x1024xf32>
    %jit3A_110 = arith.constant 1.07374182E+9 : f32
    %broadcast_in_dim3A_111 = vector.broadcast %jit3A_110 : f32 to vector<128x1024xf32>
    %select_n3A_112 = arith.select %eq3A_109, %add3A_107, %broadcast_in_dim3A_111 : vector<128x1024xi1>, vector<128x1024xf32>
    %reduce_min3A_113 = arith.constant dense<0x7F800000> : vector<1024xf32>
    %reduce_min3A_114 = vector.multi_reduction <minimumf>, %select_n3A_112, %reduce_min3A_113 [0] : vector<128x1024xf32> to vector<1024xf32>
    %broadcast_in_dim3A_115 = vector.shape_cast %reduce_min3A_114 : vector<1024xf32> to vector<1x1024xf32>
    %lt3A_116 = arith.cmpf olt, %broadcast_in_dim3A_104, %select_n3A_87 : vector<1x1024xf32>
    %select_n3A_117 = arith.select %lt3A_116, %broadcast_in_dim3A_115, %select_n3A_86 : vector<1x1024xi1>, vector<1x1024xf32>
    %select_n3A_118 = arith.select %lt3A_116, %broadcast_in_dim3A_104, %select_n3A_87 : vector<1x1024xi1>, vector<1x1024xf32>
    %get3A_119 = arith.constant 512 : index
    %get3A_120 = arith.constant 0 : index
    %get3A_121 = vector.load %arg2[%get3A_119, %get3A_120] : memref<1024x64xf32, #tpu.memory_space<vmem>>, vector<128x64xf32>
    %mul3A_122 = arith.mulf %get3A_121, %get3A_121 : vector<128x64xf32>
    %reduce_sum3A_123 = arith.constant dense<0.000000e+00> : vector<128xf32>
    %reduce_sum3A_124 = vector.multi_reduction <add>, %mul3A_122, %reduce_sum3A_123 [1] : vector<128x64xf32> to vector<128xf32>
    %broadcast_in_dim3A_125 = vector.shape_cast %reduce_sum3A_124 : vector<128xf32> to vector<128x1xf32>
    %dot_general3A_126 = arith.constant dense<0.000000e+00> : vector<128x1024xf32>
    %dot_general3A_127 = tpu.matmul %get3A_121, %get3A_1, %dot_general3A_126 {dimension_numbers = #tpu.dot_dimension_numbers<[1], [1], [0], [0], [0, 0, 1, 0], [], []>, precision = #tpu.contract_precision<fp32>, transpose_lhs_hint = false} : vector<128x64xf32>, vector<1024x64xf32>, vector<128x1024xf32> -> vector<128x1024xf32>
    %mul3A_128 = arith.constant 2.000000e+00 : f32
    %mul3A_129 = vector.broadcast %mul3A_128 : f32 to vector<128x1024xf32>
    %mul3A_130 = arith.mulf %mul3A_129, %dot_general3A_127 : vector<128x1024xf32>
    %sub3A_131 = vector.broadcast %broadcast_in_dim3A_125 : vector<128x1xf32> to vector<128x1024xf32>
    %sub3A_132 = arith.subf %sub3A_131, %mul3A_130 : vector<128x1024xf32>
    %reduce_min3A_133 = arith.constant dense<0x7F800000> : vector<1024xf32>
    %reduce_min3A_134 = vector.multi_reduction <minimumf>, %sub3A_132, %reduce_min3A_133 [0] : vector<128x1024xf32> to vector<1024xf32>
    %broadcast_in_dim3A_135 = vector.shape_cast %reduce_min3A_134 : vector<1024xf32> to vector<1x1024xf32>
    %add3A_136 = arith.constant 5.120000e+02 : f32
    %add3A_137 = vector.broadcast %add3A_136 : f32 to vector<128x1024xf32>
    %add3A_138 = arith.addf %convert_element_type3A, %add3A_137 : vector<128x1024xf32>
    %eq3A_139 = vector.broadcast %broadcast_in_dim3A_135 : vector<1x1024xf32> to vector<128x1024xf32>
    %eq3A_140 = arith.cmpf oeq, %sub3A_132, %eq3A_139 : vector<128x1024xf32>
    %jit3A_141 = arith.constant 1.07374182E+9 : f32
    %broadcast_in_dim3A_142 = vector.broadcast %jit3A_141 : f32 to vector<128x1024xf32>
    %select_n3A_143 = arith.select %eq3A_140, %add3A_138, %broadcast_in_dim3A_142 : vector<128x1024xi1>, vector<128x1024xf32>
    %reduce_min3A_144 = arith.constant dense<0x7F800000> : vector<1024xf32>
    %reduce_min3A_145 = vector.multi_reduction <minimumf>, %select_n3A_143, %reduce_min3A_144 [0] : vector<128x1024xf32> to vector<1024xf32>
    %broadcast_in_dim3A_146 = vector.shape_cast %reduce_min3A_145 : vector<1024xf32> to vector<1x1024xf32>
    %lt3A_147 = arith.cmpf olt, %broadcast_in_dim3A_135, %select_n3A_118 : vector<1x1024xf32>
    %select_n3A_148 = arith.select %lt3A_147, %broadcast_in_dim3A_146, %select_n3A_117 : vector<1x1024xi1>, vector<1x1024xf32>
    %select_n3A_149 = arith.select %lt3A_147, %broadcast_in_dim3A_135, %select_n3A_118 : vector<1x1024xi1>, vector<1x1024xf32>
    %get3A_150 = arith.constant 640 : index
    %get3A_151 = arith.constant 0 : index
    %get3A_152 = vector.load %arg2[%get3A_150, %get3A_151] : memref<1024x64xf32, #tpu.memory_space<vmem>>, vector<128x64xf32>
    %mul3A_153 = arith.mulf %get3A_152, %get3A_152 : vector<128x64xf32>
    %reduce_sum3A_154 = arith.constant dense<0.000000e+00> : vector<128xf32>
    %reduce_sum3A_155 = vector.multi_reduction <add>, %mul3A_153, %reduce_sum3A_154 [1] : vector<128x64xf32> to vector<128xf32>
    %broadcast_in_dim3A_156 = vector.shape_cast %reduce_sum3A_155 : vector<128xf32> to vector<128x1xf32>
    %dot_general3A_157 = arith.constant dense<0.000000e+00> : vector<128x1024xf32>
    %dot_general3A_158 = tpu.matmul %get3A_152, %get3A_1, %dot_general3A_157 {dimension_numbers = #tpu.dot_dimension_numbers<[1], [1], [0], [0], [0, 0, 1, 0], [], []>, precision = #tpu.contract_precision<fp32>, transpose_lhs_hint = false} : vector<128x64xf32>, vector<1024x64xf32>, vector<128x1024xf32> -> vector<128x1024xf32>
    %mul3A_159 = arith.constant 2.000000e+00 : f32
    %mul3A_160 = vector.broadcast %mul3A_159 : f32 to vector<128x1024xf32>
    %mul3A_161 = arith.mulf %mul3A_160, %dot_general3A_158 : vector<128x1024xf32>
    %sub3A_162 = vector.broadcast %broadcast_in_dim3A_156 : vector<128x1xf32> to vector<128x1024xf32>
    %sub3A_163 = arith.subf %sub3A_162, %mul3A_161 : vector<128x1024xf32>
    %reduce_min3A_164 = arith.constant dense<0x7F800000> : vector<1024xf32>
    %reduce_min3A_165 = vector.multi_reduction <minimumf>, %sub3A_163, %reduce_min3A_164 [0] : vector<128x1024xf32> to vector<1024xf32>
    %broadcast_in_dim3A_166 = vector.shape_cast %reduce_min3A_165 : vector<1024xf32> to vector<1x1024xf32>
    %add3A_167 = arith.constant 6.400000e+02 : f32
    %add3A_168 = vector.broadcast %add3A_167 : f32 to vector<128x1024xf32>
    %add3A_169 = arith.addf %convert_element_type3A, %add3A_168 : vector<128x1024xf32>
    %eq3A_170 = vector.broadcast %broadcast_in_dim3A_166 : vector<1x1024xf32> to vector<128x1024xf32>
    %eq3A_171 = arith.cmpf oeq, %sub3A_163, %eq3A_170 : vector<128x1024xf32>
    %jit3A_172 = arith.constant 1.07374182E+9 : f32
    %broadcast_in_dim3A_173 = vector.broadcast %jit3A_172 : f32 to vector<128x1024xf32>
    %select_n3A_174 = arith.select %eq3A_171, %add3A_169, %broadcast_in_dim3A_173 : vector<128x1024xi1>, vector<128x1024xf32>
    %reduce_min3A_175 = arith.constant dense<0x7F800000> : vector<1024xf32>
    %reduce_min3A_176 = vector.multi_reduction <minimumf>, %select_n3A_174, %reduce_min3A_175 [0] : vector<128x1024xf32> to vector<1024xf32>
    %broadcast_in_dim3A_177 = vector.shape_cast %reduce_min3A_176 : vector<1024xf32> to vector<1x1024xf32>
    %lt3A_178 = arith.cmpf olt, %broadcast_in_dim3A_166, %select_n3A_149 : vector<1x1024xf32>
    %select_n3A_179 = arith.select %lt3A_178, %broadcast_in_dim3A_177, %select_n3A_148 : vector<1x1024xi1>, vector<1x1024xf32>
    %select_n3A_180 = arith.select %lt3A_178, %broadcast_in_dim3A_166, %select_n3A_149 : vector<1x1024xi1>, vector<1x1024xf32>
    %get3A_181 = arith.constant 768 : index
    %get3A_182 = arith.constant 0 : index
    %get3A_183 = vector.load %arg2[%get3A_181, %get3A_182] : memref<1024x64xf32, #tpu.memory_space<vmem>>, vector<128x64xf32>
    %mul3A_184 = arith.mulf %get3A_183, %get3A_183 : vector<128x64xf32>
    %reduce_sum3A_185 = arith.constant dense<0.000000e+00> : vector<128xf32>
    %reduce_sum3A_186 = vector.multi_reduction <add>, %mul3A_184, %reduce_sum3A_185 [1] : vector<128x64xf32> to vector<128xf32>
    %broadcast_in_dim3A_187 = vector.shape_cast %reduce_sum3A_186 : vector<128xf32> to vector<128x1xf32>
    %dot_general3A_188 = arith.constant dense<0.000000e+00> : vector<128x1024xf32>
    %dot_general3A_189 = tpu.matmul %get3A_183, %get3A_1, %dot_general3A_188 {dimension_numbers = #tpu.dot_dimension_numbers<[1], [1], [0], [0], [0, 0, 1, 0], [], []>, precision = #tpu.contract_precision<fp32>, transpose_lhs_hint = false} : vector<128x64xf32>, vector<1024x64xf32>, vector<128x1024xf32> -> vector<128x1024xf32>
    %mul3A_190 = arith.constant 2.000000e+00 : f32
    %mul3A_191 = vector.broadcast %mul3A_190 : f32 to vector<128x1024xf32>
    %mul3A_192 = arith.mulf %mul3A_191, %dot_general3A_189 : vector<128x1024xf32>
    %sub3A_193 = vector.broadcast %broadcast_in_dim3A_187 : vector<128x1xf32> to vector<128x1024xf32>
    %sub3A_194 = arith.subf %sub3A_193, %mul3A_192 : vector<128x1024xf32>
    %reduce_min3A_195 = arith.constant dense<0x7F800000> : vector<1024xf32>
    %reduce_min3A_196 = vector.multi_reduction <minimumf>, %sub3A_194, %reduce_min3A_195 [0] : vector<128x1024xf32> to vector<1024xf32>
    %broadcast_in_dim3A_197 = vector.shape_cast %reduce_min3A_196 : vector<1024xf32> to vector<1x1024xf32>
    %add3A_198 = arith.constant 7.680000e+02 : f32
    %add3A_199 = vector.broadcast %add3A_198 : f32 to vector<128x1024xf32>
    %add3A_200 = arith.addf %convert_element_type3A, %add3A_199 : vector<128x1024xf32>
    %eq3A_201 = vector.broadcast %broadcast_in_dim3A_197 : vector<1x1024xf32> to vector<128x1024xf32>
    %eq3A_202 = arith.cmpf oeq, %sub3A_194, %eq3A_201 : vector<128x1024xf32>
    %jit3A_203 = arith.constant 1.07374182E+9 : f32
    %broadcast_in_dim3A_204 = vector.broadcast %jit3A_203 : f32 to vector<128x1024xf32>
    %select_n3A_205 = arith.select %eq3A_202, %add3A_200, %broadcast_in_dim3A_204 : vector<128x1024xi1>, vector<128x1024xf32>
    %reduce_min3A_206 = arith.constant dense<0x7F800000> : vector<1024xf32>
    %reduce_min3A_207 = vector.multi_reduction <minimumf>, %select_n3A_205, %reduce_min3A_206 [0] : vector<128x1024xf32> to vector<1024xf32>
    %broadcast_in_dim3A_208 = vector.shape_cast %reduce_min3A_207 : vector<1024xf32> to vector<1x1024xf32>
    %lt3A_209 = arith.cmpf olt, %broadcast_in_dim3A_197, %select_n3A_180 : vector<1x1024xf32>
    %select_n3A_210 = arith.select %lt3A_209, %broadcast_in_dim3A_208, %select_n3A_179 : vector<1x1024xi1>, vector<1x1024xf32>
    %select_n3A_211 = arith.select %lt3A_209, %broadcast_in_dim3A_197, %select_n3A_180 : vector<1x1024xi1>, vector<1x1024xf32>
    %get3A_212 = arith.constant 896 : index
    %get3A_213 = arith.constant 0 : index
    %get3A_214 = vector.load %arg2[%get3A_212, %get3A_213] : memref<1024x64xf32, #tpu.memory_space<vmem>>, vector<128x64xf32>
    %mul3A_215 = arith.mulf %get3A_214, %get3A_214 : vector<128x64xf32>
    %reduce_sum3A_216 = arith.constant dense<0.000000e+00> : vector<128xf32>
    %reduce_sum3A_217 = vector.multi_reduction <add>, %mul3A_215, %reduce_sum3A_216 [1] : vector<128x64xf32> to vector<128xf32>
    %broadcast_in_dim3A_218 = vector.shape_cast %reduce_sum3A_217 : vector<128xf32> to vector<128x1xf32>
    %dot_general3A_219 = arith.constant dense<0.000000e+00> : vector<128x1024xf32>
    %dot_general3A_220 = tpu.matmul %get3A_214, %get3A_1, %dot_general3A_219 {dimension_numbers = #tpu.dot_dimension_numbers<[1], [1], [0], [0], [0, 0, 1, 0], [], []>, precision = #tpu.contract_precision<fp32>, transpose_lhs_hint = false} : vector<128x64xf32>, vector<1024x64xf32>, vector<128x1024xf32> -> vector<128x1024xf32>
    %mul3A_221 = arith.constant 2.000000e+00 : f32
    %mul3A_222 = vector.broadcast %mul3A_221 : f32 to vector<128x1024xf32>
    %mul3A_223 = arith.mulf %mul3A_222, %dot_general3A_220 : vector<128x1024xf32>
    %sub3A_224 = vector.broadcast %broadcast_in_dim3A_218 : vector<128x1xf32> to vector<128x1024xf32>
    %sub3A_225 = arith.subf %sub3A_224, %mul3A_223 : vector<128x1024xf32>
    %reduce_min3A_226 = arith.constant dense<0x7F800000> : vector<1024xf32>
    %reduce_min3A_227 = vector.multi_reduction <minimumf>, %sub3A_225, %reduce_min3A_226 [0] : vector<128x1024xf32> to vector<1024xf32>
    %broadcast_in_dim3A_228 = vector.shape_cast %reduce_min3A_227 : vector<1024xf32> to vector<1x1024xf32>
    %add3A_229 = arith.constant 8.960000e+02 : f32
    %add3A_230 = vector.broadcast %add3A_229 : f32 to vector<128x1024xf32>
    %add3A_231 = arith.addf %convert_element_type3A, %add3A_230 : vector<128x1024xf32>
    %eq3A_232 = vector.broadcast %broadcast_in_dim3A_228 : vector<1x1024xf32> to vector<128x1024xf32>
    %eq3A_233 = arith.cmpf oeq, %sub3A_225, %eq3A_232 : vector<128x1024xf32>
    %jit3A_234 = arith.constant 1.07374182E+9 : f32
    %broadcast_in_dim3A_235 = vector.broadcast %jit3A_234 : f32 to vector<128x1024xf32>
    %select_n3A_236 = arith.select %eq3A_233, %add3A_231, %broadcast_in_dim3A_235 : vector<128x1024xi1>, vector<128x1024xf32>
    %reduce_min3A_237 = arith.constant dense<0x7F800000> : vector<1024xf32>
    %reduce_min3A_238 = vector.multi_reduction <minimumf>, %select_n3A_236, %reduce_min3A_237 [0] : vector<128x1024xf32> to vector<1024xf32>
    %broadcast_in_dim3A_239 = vector.shape_cast %reduce_min3A_238 : vector<1024xf32> to vector<1x1024xf32>
    %lt3A_240 = arith.cmpf olt, %broadcast_in_dim3A_228, %select_n3A_211 : vector<1x1024xf32>
    %select_n3A_241 = arith.select %lt3A_240, %broadcast_in_dim3A_239, %select_n3A_210 : vector<1x1024xi1>, vector<1x1024xf32>
    %reshape3A = vector.shape_cast %select_n3A_241 : vector<1x1024xf32> to vector<1024xf32>
    %convert_element_type3A_242 = arith.fptosi %reshape3A : vector<1024xf32> to vector<1024xi32>
    %swap3A = arith.constant 0 : index
    %swap3A_243 = vector.load %arg3[%swap3A] : memref<1024xi32, #tpu.memory_space<vmem>>, vector<1024xi32>
    tpu.vector_store %arg3[%swap3A], %convert_element_type3A_242 {strides = array<i32>} : memref<1024xi32, #tpu.memory_space<vmem>>, vector<1024xi32>,
    return
  }
  func.func @transform_0(%arg0: i32) -> (i32, i32) {
    %c0_i32 = arith.constant 0 : i32
    %c0_i32_0 = arith.constant 0 : i32
    return %arg0, %c0_i32 : i32, i32
  }
  func.func @transform_1(%arg0: i32) -> (i32, i32) {
    %c0_i32 = arith.constant 0 : i32
    %c0_i32_0 = arith.constant 0 : i32
    %c0_i32_1 = arith.constant 0 : i32
    return %c0_i32, %c0_i32_0 : i32, i32
  }
  func.func @transform_2(%arg0: i32) -> i32 {
    %c0_i32 = arith.constant 0 : i32
    return %arg0 : i32
  }
}

</mosaic_0001>

<sc_bundles>
// kernel: kernel.4.cloned.1.call-start
scs
__scs_entry_jumppad:
0x0: {  	(pc) =	sbr.rel $0x88, $3  }
0x1: {  	(tag) =	ssettag $0x0;
	lr =	simm.s32 $0x1  }
0x2: {  	[smem:$0x3F9F] =	sst lr;
	_ =	strace $0xD0000000  }
0x3: {  	_ = 	snop  }
0x4: {  	_ = 	snop  }
0x5: {  	_ = 	snop  }
0x6: {  	_ = 	snop  }
0x7: {  	_ = 	snop  }
__scs_overlays_trampoline_lowered:
0x8: {  	[smem:$0x3FAE] =	sst s0  }
0x9: {  	[smem:$0x3FAF] =	sst s1  }
0xa: {  	[smem:$0x3FB0] =	sst s2  }
0xb: {  	[smem:$0x3FB1] =	sst s3  }
0xc: {  	[smem:$0x3FB2] =	sst s4  }
0xd: {  	[smem:$0x3FB3] =	sst s5  }
0xe: {  	[smem:$0x3FB4] =	sst s6  }
0xf: {  	[smem:$0x3FB5] =	sst s7  }
0x10: {  	[smem:$0x3FB6] =	sst s8  }
0x11: {  	[smem:$0x3FB7] =	sst s9;
	s0 =	simm.s32 @!p0 $0x0  }
0x12: {  	s1 =	sld [smem:$0x3F9D];
	s0 =	simm.s32 @p0 $0x1  }
0x13: {  	[smem:$0x3FB8] =	sst s0;
	s0 =	simm.s32 @!p1 $0x0  }
0x14: {  	s2 =	sld [smem:$0x3F9C];
	s0 =	simm.s32 @p1 $0x1  }
0x15: {  	[smem:$0x3FB9] =	sst s0;
	s0 =	simm.s32 @!p2 $0x0  }
0x16: {  	s3 =	sld [smem:$0x3FDB];
	s0 =	simm.s32 @p2 $0x1  }
0x17: {  	s4 =	simm.s32 $0x1BF5;
	[smem:$0x3FBB] =	sst s0  }
0x18: {  	s0 =	sld [smem:$0x3F9E];
	_ =	swait.ge [sflag:s4], $0x0  }
0x19: {  	s7 =	sld [smem:$0x3F9F]  }
0x1a: {  	s8 =	sadd.s32 $0xFFFFE003, lr  }
0x1b: {  	s9 =	sadd.s32 $0xFFFFFEF7, lr;
	s5 =	simm.s32 $0xFFFFFFFF;
	p2 =	slt.u32 s8, $0xFFFFF086  }
0x1c: {  	p1 =	slt.u32 s9, $0xF7A;
	s5 =	simm.s32 @!p2 $0x0  }
0x1d: {  	s5 =	simm.s32 @p1 $0x1;
	p0 =	seq.s32 s7, s2  }
0x1e: {  	s7 =	smul.u32 @!p0 $0xF7A, s2;
	p2 =	seq.s32 @!p0 s5, $0x0  }
0x1f: {  	s9 =	smul.u32 $0xF7A, s1;
	s8 =	simm.s32 @!p0 $0x1BF5;
	p2 =	por !p2, p0  }
0x20: {  	[sflag:s8] =	ssyncset.s32 @!p0 $0xFFFFF086;
	s6 =	sadd.s32 @!p0 s3, s7;
	s7 =	simm.s32 @!p0 $0x108  }
0x21: {  	s3 =	sadd.s32 s3, s9;
	s6 =	sadd.s32 @!p0 $0x88, s6;
	s7 =	simm.s32 @p2 $0x1082  }
0x22: {  	[simem:s7], [sflag:s8] =	dma.local @!p0 [hbm:s6], $0xF7A  }
0x23: {  	s9 =	sor.u32 $0xD0000000, s2;
	s6 =	simm.s32 $0x108;
	_ =	swait.ge @!p0 [sflag:s8], $0x0  }
0x24: {  	s3 =	sadd.s32 $0x88, s3;
	s6 =	simm.s32 @!p1 $0x1082;
	[sflag:s4] =	ssyncset.s32 $0xFFFFF086  }
0x25: {  	[simem:s6], [sflag:s4] =	dma.local [hbm:s3], $0xF7A  }
0x26: {  	[smem:$0x3F9F] =	sst s1;
	(tag) =	ssettag s2;
	_ =	strace s9  }
0x27: {  	s1 =	sld [smem:$0x3FAF]  }
0x28: {  	s2 =	sld [smem:$0x3FB0]  }
0x29: {  	s4 =	sld [smem:$0x3FB2]  }
0x2a: {  	p0 =	seq.s32 s5, $0x0;
	s5 =	sld [smem:$0x3FB3]  }
0x2b: {  	s6 =	sld [smem:$0x3FB4]  }
0x2c: {  	s7 =	sld [smem:$0x3FB5]  }
0x2d: {  	s3 =	simm.s32 $0x108;
	s8 =	sld [smem:$0x3FB6]  }
0x2e: {  	s3 =	simm.s32 @!p0 $0x1082;
	s9 =	sld [smem:$0x3FB7]  }
0x2f: {  	lr =	sadd.s32 s0, s3;
	s0 =	sld [smem:$0x3FAE]  }
0x30: {  	s3 =	sld [smem:$0x3FB1]  }
0x31: {  	[smem:$0x3FBA] =	sst s10  }
0x32: {  	s10 =	sld [smem:$0x3FB8];
	_ =	sdelay $0x3  }
0x33: {  	p0 =	seq.s32 s10, $0x1;
	s10 =	sld [smem:$0x3FBA];
	_ =	sdelay $0x3  }
0x34: {  	[smem:$0x3FBA] =	sst s10  }
0x35: {  	s10 =	sld [smem:$0x3FB9];
	_ =	sdelay $0x3  }
0x36: {  	p1 =	seq.s32 s10, $0x1;
	s10 =	sld [smem:$0x3FBA];
	_ =	sdelay $0x3  }
0x37: {  	[smem:$0x3FBA] =	sst s10  }
0x38: {  	s10 =	sld [smem:$0x3FBB]  }
0x39: {  	_ = 	snop;
	(pc) =	sbr.ind lr, $3  }
0x3a: {  	_ = 	snop  }
0x3b: {  	_ = 	snop  }
0x3c: {  	p2 =	seq.s32 s10, $0x1;
	s10 =	sld [smem:$0x3FBA]  }
0x3d: {  	_ =	shalt  }
0x3e: {  	_ =	shalt  }
0x3f: {  	_ =	shalt  }
0x40: {  	_ =	shalt  }
0x41: {  	_ =	shalt  }
0x42: {  	_ =	shalt  }
0x43: {  	_ =	shalt  }
0x44: {  	_ =	shalt  }
0x45: {  	_ =	shalt  }
0x46: {  	_ =	shalt  }
0x47: {  	_ =	shalt  }
0x48: {  	_ =	shalt  }
0x49: {  	_ =	shalt  }
0x4a: {  	_ =	shalt  }
0x4b: {  	_ =	shalt  }
0x4c: {  	_ =	shalt  }
0x4d: {  	_ =	shalt  }
0x4e: {  	_ =	shalt  }
0x4f: {  	_ =	shalt  }
0x50: {  	_ =	shalt  }
0x51: {  	_ =	shalt  }
0x52: {  	_ =	shalt  }
0x53: {  	_ =	shalt  }
0x54: {  	_ =	shalt  }
0x55: {  	_ =	shalt  }
0x56: {  	_ =	shalt  }
0x57: {  	_ =	shalt  }
0x58: {  	_ =	shalt  }
0x59: {  	_ =	shalt  }
0x5a: {  	_ =	shalt  }
0x5b: {  	_ =	shalt  }
0x5c: {  	_ =	shalt  }
0x5d: {  	_ =	shalt  }
0x5e: {  	_ =	shalt  }
0x5f: {  	_ =	shalt  }
0x60: {  	_ =	shalt  }
0x61: {  	_ =	shalt  }
0x62: {  	_ =	shalt  }
0x63: {  	_ =	shalt  }
0x64: {  	_ =	shalt  }
0x65: {  	_ =	shalt  }
0x66: {  	_ =	shalt  }
0x67: {  	_ =	shalt  }
0x68: {  	_ =	shalt  }
0x69: {  	_ =	shalt  }
0x6a: {  	_ =	shalt  }
0x6b: {  	_ =	shalt  }
0x6c: {  	_ =	shalt  }
0x6d: {  	_ =	shalt  }
0x6e: {  	_ =	shalt  }
0x6f: {  	_ =	shalt  }
0x70: {  	_ =	shalt  }
0x71: {  	_ =	shalt  }
0x72: {  	_ =	shalt  }
0x73: {  	_ =	shalt  }
0x74: {  	_ =	shalt  }
0x75: {  	_ =	shalt  }
0x76: {  	_ =	shalt  }
0x77: {  	_ =	shalt  }
0x78: {  	_ =	shalt  }
0x79: {  	_ =	shalt  }
0x7a: {  	_ =	shalt  }
0x7b: {  	_ =	shalt  }
0x7c: {  	_ =	shalt  }
0x7d: {  	_ =	shalt  }
0x7e: {  	_ =	shalt  }
0x7f: {  	_ =	shalt  }
0x80: {  	_ =	shalt  }
0x81: {  	_ =	shalt  }
0x82: {  	_ =	shalt  }
0x83: {  	_ =	shalt  }
0x84: {  	_ =	shalt  }
0x85: {  	_ =	shalt  }
0x86: {  	_ =	shalt  }
0x87: {  	_ =	shalt  }
.Lfunc_end0:
.L_simem_size_0:
called_computation_lowered:
.L_overlay_start_0:
0x88: {  	s0 =	sld [smem:$0x3FD9]  }
0x89: {  	s1 =	sld [smem:$0x3FFE];
	_ =	sdelay $0x3  }
0x8a: {  	s0 =	sadd.s32 s1, s0  }
0x8b: {  	[smem:$0x3FC6] =	sst s0  }
0x8c: {  	_ = 	snop  }
0x8d: {  	s0 =	sld [smem:$0x3FD0];
	_ =	sdelay $0x2  }
0x8e: {  	s13 =	simm.s32 $0xA;
	s2 =	simm.s32 $0x10  }
0x8f: {  	[smem:s2], [sflag:s13] =	dma.local [hbm:s0], $0x1  }
0x90: {  	_ =	swait.eq [sflag:s13], $0x1  }
0x91: {  	[sflag:s13] =	ssyncset.done $0x0  }
0x92: {  	s14 =	sld [smem:$0x10];
	[sflag:s13] =	ssyncadd.s32 $0xFFFFFFFF  }
0x93: {  	s15 =	sld [smem:$0x11];
	(tm) =	ssettm $0x1  }
0x94: {  	s16 =	sld [smem:$0x3FFB];
	_ =	sdelay $0x3  }
0x95: {  	_ =	strace s16  }
0x96: {  	s2 =	sld [smem:$0x3FFC];
	_ =	sdelay $0x3  }
0x97: {  	_ =	strace s2  }
0x98: {  	s2 =	sld [smem:$0x3FFD];
	_ =	sdelay $0x3  }
0x99: {  	_ =	strace s2  }
0x9a: {  	_ =	strace $0x8FFFFFFF  }
0x9b: {  	s17 =	sld [smem:$0x3FDB];
	_ =	sdelay $0x1  }
0x9c: {  	s3 =	simm.s32 $_scs_section_size  }
0x9d: {  	s4 =	simm.s32 $_size__tile_overlayer_lowered;
	s5 =	simm.s32 $_tile_overlayer_lowered  }
0x9e: {  	s20 =	simm.s32 $0x1BFF;
	s19 =	sshll.u32 s5, $0x1;
	s2 =	sadd.s32 s3, s17  }
0x9f: {  	s6 =	simm.s32 $0x0;
	s18 =	sshll.u32 s4, $0x1;
	s4 =	sadd.s32 s19, s2  }
0xa0: {  	[timem:s6], [sflag:s20] =	dma.local [hbm:s4], s18  }
0xa1: {  	_ =	swait.ge [sflag:s20], s18  }
0xa2: {  	s3 =	ssub.s32 $0x0, s18;
	[sflag:s20] =	ssyncset.done $0x0  }
0xa3: {  	[sflag:s20] =	ssyncadd.s32 s3;
	_ =	sdelay $0x1  }
0xa4: {  	s21 =	simm.s32 $0x1B8B  }
0xa5: {  	_ =	swait.ge [sflag:s21], $0x1  }
0xa6: {  	[sflag:s21] =	ssyncset.done $0x0  }
0xa7: {  	s23 =	simm.s32 $0x1B8E;
	s22 =	sld [smem:$0x3FFE];
	[sflag:s21] =	ssyncadd.s32 $0xFFFFFFFF  }
0xa8: {  	s24 =	simm.s32 $execute0_lowered;
	[smem:$0x3FD2] =	sst s23  }
0xa9: {  	s4 =	sshll.u32 s24, $0x1;
	_ =	strace $0x80000046;
	[dreg:$0x1] =	wrdreg $0xFFFFFFFF  }
0xaa: {  	s25 =	simm.s32 $_size_execute0_lowered;
	s2 =	sadd.s32 s2, s4;
	[dreg:$0x0] =	wrdreg $0x0  }
0xab: {  	s4 =	sshll.u32 s25, $0x1;
	[dreg:$0x2] =	wrdreg s2  }
0xac: {  	[dreg:$0x3] =	wrdreg s4  }
0xad: {  	[dreg:$0x4] =	wrdreg $0xC0  }
0xae: {  	_ =	task [dreg:s6], $0x5FFFF  }
0xaf: {  	[dreg:$0x1] =	wrdreg $0xFFFFFFFF  }
0xb0: {  	[dreg:$0x0] =	wrdreg $0x60  }
0xb1: {  	[dreg:$0x2] =	wrdreg s14  }
0xb2: {  	[dreg:$0x3] =	wrdreg s15  }
0xb3: {  	[dreg:$0x4] =	wrdreg s22  }
0xb4: {  	[dreg:$0x5] =	wrdreg $0x9  }
0xb5: {  	_ =	task.clear_ibuf [dreg:s6], $0x6FFFF;
	_ =	strace $0x90000046  }
0xb6: {  	s26 =	simm.s32 $0x9;
	_ =	strace $0x80000048  }
0xb7: {  	_ =	swait.ge [sflag:s26], $0x1  }
0xb8: {  	[sflag:s26] =	ssyncadd.s32 $0xFFFFFFFF  }
0xb9: {  	_ =	strace $0x90000048  }
0xba: {  	_ =	sfence  }
0xbb: {  	s28 =	sld [smem:$0x0];
	_ =	sdelay $0x1  }
0xbc: {  	s29 =	srdreg.scid  }
0xbd: {  	s30 =	sshll.u32 s29, $0xD;
	s31 =	sshrl.u32 s29, $0x2  }
0xbe: {  	s1 =	sand.u32 $0x1, s29;
	s2 =	sand.u32 $0x4000, s30;
	s0 =	sadd.s32 s31, s28  }
0xbf: {  	s1 =	sor.u32 s2, s1;
	s0 =	sshll.u32 s0, $0x11  }
0xc0: {  	s0 =	sor.u32 s0, s1  }
0xc1: {  	s0 =	sadd.s32 $0x8F2B, s0  }
0xc2: {  	[sflag:s0] =	ssyncadd.remote.s32 $0x1  }
0xc3: {  	_ =	sfence.sel $0xFFFF  }
0xc4: {  	[dreg:$0x0] =	wrdreg $0xFFFFFFFF;
	(pc) =	sbr.abs _section_cstart, $3  }
0xc5: {  	[dreg:$0x1] =	wrdreg $0xFFFFFFFF  }
0xc6: {  	_ =	task.clear_ibuf [dreg:s6], $0x2FFFF;
	_ =	strace $0x9FFFFFFF  }
0xc7: {  	(tm) =	ssettm $0x7FFFFFFF  }
tec
execute0_lowered:
.L_overlay_start_1:
0x0: {  	(tag) =	ssettag $0x1  }
0x1: {  	s0 =	rddreg [dreg:$0x0]  }
0x2: {  	s1 =	rddreg [dreg:$0x1]  }
0x3: {  	s2 =	rddreg [dreg:$0x2]  }
0x4: {  	s3 =	rddreg [dreg:$0x3];
	s4 =	simm.s32 $0x0;
	s5 =	stileid.u32  }
0x5: {  	[smem:$0x7FF] =	sst s4;
	s6 =	sshll.u32 s5, $0x3  }
0x6: {  	s29 =	simm.s32 $0x2;
	_ =	strace $0x80000047;
	s1 =	sadd.s32 s1, s6  }
0x7: {  	[tilespmem:s4], [sflag:$0x2] =	stream.linear.gather [hbm4b:s1+s4], $0x40, $0x38;
	[tilespmem:$0x1040] =	vst v63  }
0x8: {  	_ =	swait.ge [sflag:s29], $0x40  }
0x9: {  	[sflag:s29] =	ssyncset.done $0x0  }
0xa: {  	s30 =	simm.s32 $0x40;
	s31 =	simm.s32 $0x1;
	[sflag:s29] =	ssyncadd.s32 $0xFFFFFFC0  }
0xb: {  	[tilespmem:s30], [sflag:$0x1] =	stream.indirect.gather [hbm4b:s0+s30], $0x40, s4, s30, $0xb8;
	[tilespmem:$0x1040] =	vst v63  }
0xc: {  	s7 =	sshll.u32 s5, $0x9;
	_ =	swait.ge [sflag:s31], $0x1000  }
0xd: {  	s2 =	sadd.s32 s7, s2;
	[sflag:s31] =	ssyncset.done $0x0  }
0xe: {  	s2 =	sadd.s32 $0x600, s2;
	[sflag:s31] =	ssyncadd.s32 $0xFFFFF000  }
0xf: {  	[hbm4b:s2+s4] =	stream.linear.scatter [tilespmem:s30], [sflag:$0x2], $0x1000, $0x38;
	[tilespmem:$0x1040] =	vst v63  }
0x10: {  	_ =	swait.ge [sflag:s29], $0x1000  }
0x11: {  	[sflag:s29] =	ssyncset.done $0x0  }
0x12: {  	[sflag:s29] =	ssyncadd.s32 $0xFFFFF000  }
0x13: {  	_ =	sfence.sel $0x180000  }
0x14: {  	[bflag:$0x0] =	sbarrier.arrive $0xFFFF  }
0x15: {  	p0 =	sne.s32 s5, $0x0;
	_ =	strace $0x90000047  }
0x16: {  	s0 =	sadd.s32 @!p0 $0x100000, s3;
	[bflag:$0x2] =	sbarrier.arrive $0xFFFF  }
0x17: {  	[sflag:s0] =	ssyncadd.tile.s32 @!p0 $0x1;
	_ =	shalt  }
.Lfunc_end2:
_tile_overlayer_lowered:
.L_overlay_start_2:
0x18: {  	(tag) =	ssettag $0x2  }
0x19: {  	s0 =	rddreg [dreg:$0x0];
	s2 =	stileid.u32  }
0x1a: {  	s1 =	rddreg [dreg:$0x1];
	p0 =	sne.s32 s2, $0x0  }
0x1b: {  	s3 =	rddreg [dreg:$0x2];
	[bflag:$0x3] =	sbarrier.arrive $0xFFFF;
	s2 =	simm.s32 @!p0 $0x1C02  }
0x1c: {  	[timem:s3], [sflag:s2] =	dma.local @!p0 [hbm:s0], s1  }
0x1d: {  	s0 =	simm.s32 @!p0 $0x2  }
0x1e: {  	_ =	swait.ge @!p0 [sflag:s0], s1  }
0x1f: {  	s1 =	ssub.s32 @!p0 $0x0, s1;
	[sflag:s0] =	ssyncset.done @!p0 $0x0  }
0x20: {  	[sflag:s0] =	ssyncadd.s32 @!p0 s1  }
0x21: {  	[bflag:$0x3] =	sbarrier.arrive $0xFFFF  }
0x22: {  	_ =	shalt  }

</sc_bundles>
